<compile_context>
chip_gen: v7x
topology: tpu7x:2x2x1
jax: 0.10.2.dev20260603
libtpu: 0.0.44.dev20260713+nightly
codegen_flags: <defaults>
</compile_context>

<pallas_src>
import functools

import jax
import jax.numpy as jnp
from jax import lax
from jax.experimental import pallas as pl
from jax.experimental.pallas import tpu as pltpu
from jax.experimental.pallas import tpu_sc as plsc

_N = 10000
_NP = 10240
_E = 320000
_EP = 327680
_EC = 2560
_TC = 160
_K = 5
_ROWS_PER_TILE = _NP // 16

_MESH = dict(core_axis_name="c", subcore_axis_name="s", num_cores=2,
             num_subcores=16)


def _zero_buf(buf, rows, width):
    def body(e, carry):
        for g in range(width // 16):
            buf[e, pl.ds(g * 16, 16)] = jnp.zeros((16,), jnp.float32)
        return carry
    lax.fori_loop(0, rows, body, 0)


_EPT = _EP // 16


def _precompute_body(row_hbm, ew_hbm, norm_hbm, row_v, ew_v, zbuf, dbuf,
                     nbuf, sem, acc):
    c = lax.axis_index("c")
    s = lax.axis_index("s")
    pltpu.sync_copy(row_hbm.at[pl.ds(s * _TC, _TC)], row_v)
    pltpu.sync_copy(ew_hbm.at[pl.ds(s * _EPT, _EPT)], ew_v)

    def zb(i, carry):
        zbuf[pl.ds(i * 16, 16)] = jnp.zeros((16,), jnp.float32)
        return carry
    lax.fori_loop(0, _ROWS_PER_TILE // 16, zb, 0)
    pltpu.sync_copy(zbuf, acc.at[pl.ds(s * _ROWS_PER_TILE, _ROWS_PER_TILE)])
    plsc.subcore_barrier()

    def chunk_deg(j, carry):
        pltpu.sync_copy(ew_v.at[pl.ds(j * 128, 128)],
                        acc.at[row_v.at[j]], add=True)
        return carry
    lax.fori_loop(0, _TC, chunk_deg, 0)
    plsc.subcore_barrier()

    def chunk_norm(j, carry):
        pltpu.sync_copy(acc.at[row_v.at[j]], dbuf)
        def grp(g, carry2):
            sl = pl.ds(j * 128 + g * 16, 16)
            dv = dbuf[pl.ds(g * 16, 16)]
            ewg = ew_v[sl]
            sel = dv > 0.0
            safe = jnp.where(sel, dv, 1.0)
            nbuf[sl] = jnp.where(sel, -(ewg / safe), 0.0)
            return carry2
        lax.fori_loop(0, 8, grp, 0)
        return carry
    lax.fori_loop(0, _TC, chunk_norm, 0)

    half = _EPT // 2
    pltpu.sync_copy(nbuf.at[pl.ds(c * half, half)],
                    norm_hbm.at[pl.ds(s * _EPT + c * half, half)])


@jax.jit
def _precompute_norm(row2, ew1):
    return pl.kernel(
        _precompute_body,
        out_type=jax.ShapeDtypeStruct((_EP,), jnp.float32),
        mesh=plsc.VectorSubcoreMesh(**_MESH),
        scratch_types=[
            pltpu.VMEM((_TC, 128), jnp.int32),
            pltpu.VMEM((_EPT,), jnp.float32),
            pltpu.VMEM((_ROWS_PER_TILE,), jnp.float32),
            pltpu.VMEM((128,), jnp.float32),
            pltpu.VMEM((_EPT,), jnp.float32),
            pltpu.SemaphoreType.DMA,
            pltpu.VMEM_SHARED((_NP,), jnp.float32),
        ],
        compiler_params=pltpu.CompilerParams(use_tc_tiling_on_sc=False),
    )(row2, ew1)


def _ring(d2p):
    return 3 if d2p >= 64 else 5


def _prop_body(h_hbm, norm_hbm, col_hbm, row_hbm, *args, d2p, has_prev):
    ring = _ring(d2p)
    if has_prev:
        prev_hbm, rest = args[0], args[1:]
    else:
        prev_hbm, rest = None, args
    out_hbm, row_v, col_v, nrm_v = rest[0:4]
    bufs = rest[4:4 + ring]
    sems = rest[4 + ring:4 + 3 * ring]
    acc = rest[-1]
    gsems = sems[0:ring]
    ssems = sems[ring:2 * ring]
    tmpa, tmpb = bufs[0], bufs[1]
    c = lax.axis_index("c")
    s = lax.axis_index("s")
    pltpu.sync_copy(row_hbm.at[pl.ds(s * _TC, _TC)], row_v)
    pltpu.sync_copy(col_hbm.at[pl.ds(s * _TC, _TC)], col_v)
    pltpu.sync_copy(norm_hbm.at[pl.ds(s * _EPT, _EPT)], nrm_v)

    off = c * _NP
    def adj(j, carry):
        for g in range(8):
            sl = pl.ds(g * 16, 16)
            row_v[j, sl] = row_v[j, sl] + off
        return carry
    lax.fori_loop(0, _TC, adj, 0)

    _zero_buf(tmpa, 128, d2p)
    for b in range(_ROWS_PER_TILE // 128):
        pltpu.sync_copy(tmpa, acc.at[pl.ds((s * 5 + b) * 128, 128)])
    plsc.subcore_barrier()

    for b in range(2):
        pltpu.async_copy(h_hbm.at[row_v.at[b]], bufs[b], gsems[b])

    def step(j, b):
        gb = bufs[b]
        nb = (b + 2) % ring
        pltpu.make_async_copy(h_hbm.at[row_v.at[j]], gb, gsems[b]).wait()
        jbase = j * 128
        def grp(g, carry2):
            nv16 = nrm_v[pl.ds(jbase + g * 16, 16)]
            e0 = g * 16
            for l in range(16):
                nv = nv16[l]
                for gg in range(d2p // 16):
                    sl = pl.ds(gg * 16, 16)
                    gb[e0 + l, sl] = gb[e0 + l, sl] * nv
            return carry2
        lax.fori_loop(0, 8, grp, 0)
        pltpu.async_copy(gb, acc.at[col_v.at[j]], ssems[b], add=True)
        def _wait_old_scatter():
            pltpu.make_async_copy(bufs[nb], acc.at[col_v.at[j - (ring - 2)]],
                                  ssems[nb]).wait()
        def _next_gather():
            pltpu.async_copy(h_hbm.at[row_v.at[j + 2]], bufs[nb],
                             gsems[nb])
        pl.when(j >= ring - 2)(_wait_old_scatter)
        pl.when(j + 2 < _TC)(_next_gather)

    n_main = (_TC - 4) // ring * ring
    def outer(t, carry):
        for b in range(ring):
            step(ring * t + b, b)
        return carry
    lax.fori_loop(0, n_main // ring, outer, 0)
    for j in range(n_main, _TC):
        step(j, j % ring)
    for j in range(_TC - (ring - 2), _TC):
        pltpu.make_async_copy(bufs[j % ring], acc.at[col_v.at[j]],
                              ssems[j % ring]).wait()
    plsc.subcore_barrier()

    for b in range(_ROWS_PER_TILE // 128):
        base = (s * 5 + b) * 128
        pltpu.sync_copy(acc.at[pl.ds(base, 128)], tmpa)
        if has_prev:
            pltpu.sync_copy(prev_hbm.at[pl.ds(off + base, 128)], tmpb)
            def fold(e, carry):
                for g in range(d2p // 16):
                    sl = pl.ds(g * 16, 16)
                    tmpa[e, sl] = 2.0 * tmpa[e, sl] - tmpb[e, sl]
                return carry
            lax.fori_loop(0, 128, fold, 0)
        pltpu.sync_copy(tmpa, out_hbm.at[pl.ds(off + base, 128)])


@functools.partial(jax.jit, static_argnames=("d2p", "has_prev"))
def _prop(h_flat, norm2, col2, row2, prev_flat=None, *, d2p, has_prev):
    scratch = [
        pltpu.VMEM((_TC, 128), jnp.int32),
        pltpu.VMEM((_TC, 128), jnp.int32),
        pltpu.VMEM((_EPT,), jnp.float32),
    ] + [pltpu.VMEM((128, d2p), jnp.float32) for _ in range(_ring(d2p))] \
      + [pltpu.SemaphoreType.DMA] * (2 * _ring(d2p)) + [
        pltpu.VMEM_SHARED((_NP, d2p), jnp.float32),
    ]
    fn = pl.kernel(
        functools.partial(_prop_body, d2p=d2p, has_prev=has_prev),
        out_type=jax.ShapeDtypeStruct((2 * _NP, d2p), jnp.float32),
        mesh=plsc.VectorSubcoreMesh(**_MESH),
        scratch_types=scratch,
        compiler_params=pltpu.CompilerParams(use_tc_tiling_on_sc=False),
    )
    if has_prev:
        return fn(h_flat, norm2, col2, row2, prev_flat)
    return fn(h_flat, norm2, col2, row2)


def _combine_body(*refs, act, s_in, s_out, d2p_out, half_out):
    nx = _K * s_in
    x_refs = refs[:nx]
    w_ref = refs[nx]
    b_ref = refs[nx + 1]
    o_refs = refs[nx + 2:]
    acc = None
    for k in range(_K):
        for si in range(s_in):
            xr = x_refs[k * s_in + si]
            for c in range(2):
                p = jnp.dot(xr[c], w_ref[k, si, c],
                            preferred_element_type=jnp.float32)
                acc = p if acc is None else acc + p
    z = acc + b_ref[0]
    if act:
        z = jax.nn.softplus(z)
    tn = z.shape[0]
    for si in range(s_out):
        for c in range(2):
            col0 = (si * 2 + c) * half_out
            piece = z[:, col0:col0 + half_out]
            if d2p_out > half_out:
                padz = jnp.zeros((tn, d2p_out - half_out), jnp.float32)
                piece = jnp.concatenate([piece, padz], axis=1)
            o_refs[si][c] = piece


def _combine(txs, w_s, b, act, s_out, d2p_out, half_out):
    d2p_in = txs[0].shape[-1]
    s_in = len(txs) // _K
    dout = w_s.shape[-1]
    tn = 640
    grid = (_NP // tn,)
    body = functools.partial(_combine_body, act=act, s_in=s_in, s_out=s_out,
                             d2p_out=d2p_out, half_out=half_out)
    return pl.pallas_call(
        body,
        grid=grid,
        in_specs=[pl.BlockSpec((2, tn, d2p_in), lambda i: (0, i, 0))
                  for _ in txs] + [
            pl.BlockSpec(w_s.shape, lambda i: (0,) * 5),
            pl.BlockSpec((1, dout), lambda i: (0, 0)),
        ],
        out_specs=[pl.BlockSpec((2, tn, d2p_out), lambda i: (0, i, 0))
                   for _ in range(s_out)],
        out_shape=[jax.ShapeDtypeStruct((2, _NP, d2p_out), jnp.float32)
                   for _ in range(s_out)],
    )(*txs, w_s, b[None, :])


def _fc_body(*refs):
    x_refs = refs[:-3]
    w_ref, b_ref, o_ref = refs[-3], refs[-2], refs[-1]
    acc = None
    for si in range(len(x_refs)):
        for c in range(2):
            p = jnp.dot(x_refs[si][c], w_ref[si, c],
                        preferred_element_type=jnp.float32)
            acc = p if acc is None else acc + p
    o_ref[...] = acc + b_ref[0]


def _fc(hs, w_s, b):
    tn = 1000
    grid = (_N // tn,)
    d2p = hs[0].shape[-1]
    nc = w_s.shape[-1]
    return pl.pallas_call(
        _fc_body,
        grid=grid,
        in_specs=[pl.BlockSpec((2, tn, d2p), lambda i: (0, i, 0))
                  for _ in hs] + [
            pl.BlockSpec(w_s.shape, lambda i: (0,) * 4),
            pl.BlockSpec((1, nc), lambda i: (0, 0)),
        ],
        out_specs=pl.BlockSpec((tn, nc), lambda i: (i, 0)),
        out_shape=jax.ShapeDtypeStruct((_N, nc), jnp.float32),
    )(*hs, w_s, b[None, :])


_DIMS = [(128, 16), (16, 32), (32, 64), (64, 64), (64, 128), (128, 256),
         (256, 512)]


def _split(d):
    s = max(d // 128, 1)
    half = d // (2 * s)
    d2p = max(half, 16)
    return s, half, d2p


def kernel(x, edge_weigth, params, edge_index, batch):
    row = edge_index[0]
    col = edge_index[1]
    row2 = jnp.pad(row, (0, _EP - _E)).reshape(_EC, 128)
    col2 = jnp.pad(col, (0, _EP - _E)).reshape(_EC, 128)
    ew1 = jnp.pad(edge_weigth, (0, _EP - _E))

    norm2 = _precompute_norm(row2, ew1)

    xp = jnp.pad(x, ((0, _NP - _N), (0, 0)))
    hs = [xp.reshape(_NP, 2, 64).transpose(1, 0, 2).reshape(2 * _NP, 64)]

    for i, (din, dout) in enumerate(_DIMS):
        s_in, half_in, d2i = _split(din)
        w = params["W%d" % i]
        b = params["b%d" % i]
        w2 = w.reshape(_K, s_in, 2, half_in, dout)
        if d2i > half_in:
            w2 = jnp.pad(w2, ((0, 0), (0, 0), (0, 0), (0, d2i - half_in),
                              (0, 0)))
        def p(h, prev=None):
            return _prop(h, norm2, col2, row2, prev, d2p=d2i,
                         has_prev=prev is not None)
        tx0 = hs
        tx1 = [p(t) for t in tx0]
        tx2 = [p(a, b2) for a, b2 in zip(tx1, tx0)]
        tx3 = [p(a, b2) for a, b2 in zip(tx2, tx1)]
        tx4 = [p(a, b2) for a, b2 in zip(tx3, tx2)]
        txs = [t.reshape(2, _NP, d2i)
               for tk in (tx0, tx1, tx2, tx3, tx4) for t in tk]
        s_out, half_out, d2o = _split(dout)
        h3ds = _combine(txs, w2, b, act=True, s_out=s_out, d2p_out=d2o,
                        half_out=half_out)
        hs = [t.reshape(2 * _NP, d2o) for t in h3ds]

    s7, half7, d2p7 = _split(512)
    fcw = params["fc_w"].T.reshape(s7, 2, half7, -1)
    return _fc([t.reshape(2, _NP, d2p7) for t in hs], fcw, params["fc_b"])

# --- scband reference (transcript-rebuilt; emitter-appended) ---
"""Pipeline reference for scband-gcns-net-7112465842805 (READ-ONLY COPY).

The authoritative reference and input builder live on the scoring server;
editing this copy changes nothing except your own understanding.
"""

import jax, jax.numpy as jnp
import numpy as np

N = 10000
E = 320000
D_IN = 128
K = 5
NUM_CLASSES = 3


def _cheb(x, edge_index, edge_weight, W, b):
    # Faithful PyG ChebConv with normalization='rw', lambda_max=2.0.
    # L = I - D^{-1} A; L_hat = 2L/lambda_max - I = -D^{-1}A (zero diagonal).
    n = x.shape[0]
    row = edge_index[0]
    col = edge_index[1]
    deg = jax.ops.segment_sum(edge_weight, row, num_segments=n)
    deg_inv = jnp.where(deg > 0, 1.0 / deg, 0.0)
    norm = -(deg_inv[row] * edge_weight)

    def prop(h):
        return jax.ops.segment_sum(norm[:, None] * h[row], col, num_segments=n)

    k_total = W.shape[0]
    Tx0 = x
    out = Tx0 @ W[0]
    Tx1 = prop(x)
    out = out + Tx1 @ W[1]
    for k in range(2, k_total):
        Tx2 = 2.0 * prop(Tx1) - Tx0
        out = out + Tx2 @ W[k]
        Tx0, Tx1 = Tx1, Tx2
    return out + b


def _global_max_pool(x, batch):
    # batch = arange(N): each node is its own graph, pooled size == N,
    # which keeps edge_index valid for the subsequent conv (as the
    # original forward re-feeds pooled output into conv with same edges).
    return jax.ops.segment_max(x, batch, num_segments=x.shape[0])


def setup_inputs(seed: int = 0):
    key = jax.random.key(seed)
    ks = jax.random.split(key, 16)
    x = jax.random.normal(ks[0], (N, D_IN), dtype=jnp.float32)
    edge_index = jax.random.randint(ks[1], (2, E), 0, N, dtype=jnp.int32)
    edge_weigth = jax.random.uniform(ks[2], (E,), dtype=jnp.float32)
    batch = jnp.arange(N, dtype=jnp.int32)
    # conv dims: conv1..conv6 plus the duplicated conv3 call (64->64)
    dims = [(D_IN, 16), (16, 32), (32, 64), (64, 64), (64, 128), (128, 256), (256, 512)]
    params = {}
    for i, (di, do) in enumerate(dims):
        params["W%d" % i] = jax.random.normal(ks[3 + i], (K, di, do), dtype=jnp.float32) * (1.0 / np.sqrt(di * K))
        params["b%d" % i] = jnp.zeros((do,), dtype=jnp.float32)
    params["fc_w"] = jax.random.normal(ks[12], (NUM_CLASSES, 512), dtype=jnp.float32) * 0.05
    params["fc_b"] = jnp.zeros((NUM_CLASSES,), dtype=jnp.float32)
    return {"x": x, "edge_weigth": edge_weigth, "params": params, "edge_index": edge_index, "batch": batch}


def reference(x, edge_weigth, params, edge_index, batch):
    h = x
    for i in range(7):
        h = _cheb(h, edge_index, edge_weigth, params["W%d" % i], params["b%d" % i])
        h = _global_max_pool(h, batch)
        h = jax.nn.softplus(h)
    out = h @ params["fc_w"].T + params["fc_b"]
    return out

if __name__ == "__main__":
    import jax
    _d = setup_inputs()
    print(jax.jit(kernel)(*tuple(_d.values())))

</pallas_src>

<mosaic_0001>
#map = affine_map<(d0, d1) -> (0, 0)>
#map1 = affine_map<(d0, d1) -> (0)>
module attributes {stable_mosaic.version = 14 : i64} {
  func.func @_precompute_body(%arg0: i32, %arg1: i32, %arg2: memref<2560x128xi32, #tpu.memory_space<hbm>>, %arg3: memref<327680xf32, #tpu.memory_space<hbm>>, %arg4: memref<327680xf32, #tpu.memory_space<hbm>>, %arg5: memref<160x128xi32, #tpu.memory_space<vmem>>, %arg6: memref<20480xf32, #tpu.memory_space<vmem>>, %arg7: memref<640xf32, #tpu.memory_space<vmem>>, %arg8: memref<128xf32, #tpu.memory_space<vmem>>, %arg9: memref<20480xf32, #tpu.memory_space<vmem>>, %arg10: memref<!tpu.dma_semaphore, #tpu.memory_space<semaphore_mem>>, %arg11: memref<10240xf32, #tpu.memory_space<vmem_shared>>) attributes {dimension_semantics = [#tpu.dimension_semantics<core_parallel>, #tpu.dimension_semantics<subcore_parallel>], iteration_bounds = array<i64: 2, 16>, scalar_prefetch = 0 : i64, scratch_operands = 7 : i64, tpu.core_type = #tpu.core_type<sc_vector_subcore>, window_params = [{transform_indices = #map}, {transform_indices = #map1}, {transform_indices = #map1}]} {
    %mul3A = arith.constant 160 : i32
    %mul3A_0 = arith.muli %arg1, %mul3A : i32
    "tpu.region"() ({
      %run_scoped3A = tpu.sem_alloc : memref<!tpu.dma_semaphore, #tpu.memory_space<semaphore_mem>>
      %dma_start3A = arith.constant 0 : i32
      %dma_start3A_29 = tpu.memref_slice %arg2[%mul3A_0, %dma_start3A] : memref<2560x128xi32, #tpu.memory_space<hbm>> -> memref<160x128xi32, #tpu.memory_space<hbm>>
      %dma_start3A_30 = arith.constant 0 : i32
      %dma_start3A_31 = tpu.memref_slice %arg2[%mul3A_0, %dma_start3A_30] : memref<2560x128xi32, #tpu.memory_space<hbm>> -> memref<160x128xi32, #tpu.memory_space<hbm>>
      tpu.enqueue_dma source(%dma_start3A_31 : memref<160x128xi32, #tpu.memory_space<hbm>>) target(%arg5 : memref<160x128xi32, #tpu.memory_space<vmem>>) target_semaphore(%run_scoped3A : memref<!tpu.dma_semaphore, #tpu.memory_space<semaphore_mem>>)
      %dma_wait3A = arith.constant 0 : i32
      %dma_wait3A_32 = tpu.memref_slice %arg2[%mul3A_0, %dma_wait3A] : memref<2560x128xi32, #tpu.memory_space<hbm>> -> memref<160x128xi32, #tpu.memory_space<hbm>>
      %dma_wait3A_33 = arith.constant 0 : i32
      %dma_wait3A_34 = tpu.memref_slice %arg2[%mul3A_0, %dma_wait3A_33] : memref<2560x128xi32, #tpu.memory_space<hbm>> -> memref<160x128xi32, #tpu.memory_space<hbm>>
      tpu.wait_dma2 semaphore(%run_scoped3A : memref<!tpu.dma_semaphore, #tpu.memory_space<semaphore_mem>>) src(%dma_wait3A_34 : memref<160x128xi32, #tpu.memory_space<hbm>>) dst(%arg5 : memref<160x128xi32, #tpu.memory_space<vmem>>)
      tpu.yield
    }) : () -> ()
    %mul3A_1 = arith.constant 20480 : i32
    %mul3A_2 = arith.muli %arg1, %mul3A_1 : i32
    "tpu.region"() ({
      %run_scoped3A = tpu.sem_alloc : memref<!tpu.dma_semaphore, #tpu.memory_space<semaphore_mem>>
      %dma_start3A = tpu.memref_slice %arg3[%mul3A_2] : memref<327680xf32, #tpu.memory_space<hbm>> -> memref<20480xf32, #tpu.memory_space<hbm>>
      %dma_start3A_29 = tpu.memref_slice %arg3[%mul3A_2] : memref<327680xf32, #tpu.memory_space<hbm>> -> memref<20480xf32, #tpu.memory_space<hbm>>
      tpu.enqueue_dma source(%dma_start3A_29 : memref<20480xf32, #tpu.memory_space<hbm>>) target(%arg6 : memref<20480xf32, #tpu.memory_space<vmem>>) target_semaphore(%run_scoped3A : memref<!tpu.dma_semaphore, #tpu.memory_space<semaphore_mem>>)
      %dma_wait3A = tpu.memref_slice %arg3[%mul3A_2] : memref<327680xf32, #tpu.memory_space<hbm>> -> memref<20480xf32, #tpu.memory_space<hbm>>
      %dma_wait3A_30 = tpu.memref_slice %arg3[%mul3A_2] : memref<327680xf32, #tpu.memory_space<hbm>> -> memref<20480xf32, #tpu.memory_space<hbm>>
      tpu.wait_dma2 semaphore(%run_scoped3A : memref<!tpu.dma_semaphore, #tpu.memory_space<semaphore_mem>>) src(%dma_wait3A_30 : memref<20480xf32, #tpu.memory_space<hbm>>) dst(%arg6 : memref<20480xf32, #tpu.memory_space<vmem>>)
      tpu.yield
    }) : () -> ()
    %scan3A = arith.constant 0 : i32
    %scan3A_3 = arith.constant 0 : i32
    %scan3A_4 = arith.constant 40 : i32
    %scan3A_5 = arith.addi %scan3A_3, %scan3A_4 : i32
    %scan3A_6 = arith.constant 1 : i32
    scf.for %scan3A_29 = %scan3A_3 to %scan3A_5 step %scan3A_6  : i32 {
      %broadcast_in_dim3A = arith.constant 0.000000e+00 : f32
      %broadcast_in_dim3A_30 = vector.broadcast %broadcast_in_dim3A : f32 to vector<16xf32>
      %mul3A_31 = arith.constant 16 : i32
      %mul3A_32 = arith.muli %scan3A_29, %mul3A_31 : i32
      %swap3A = arith.index_cast %mul3A_32 : i32 to index
      %swap3A_33 = tpu.vector_load %arg7[%swap3A] {strides = array<i32>} : memref<640xf32, #tpu.memory_space<vmem>>, vector<16xf32>,
      %swap3A_34 = vector.shape_cast %swap3A_33 : vector<16xf32> to vector<16xf32>
      %swap3A_35 = vector.shape_cast %broadcast_in_dim3A_30 : vector<16xf32> to vector<16xf32>
      tpu.vector_store %arg7[%swap3A], %swap3A_35 {strides = array<i32>} : memref<640xf32, #tpu.memory_space<vmem>>, vector<16xf32>,
    }
    %scan3A_7 = arith.constant 40 : i32
    %mul3A_8 = arith.constant 640 : i32
    %mul3A_9 = arith.muli %arg1, %mul3A_8 : i32
    "tpu.region"() ({
      %run_scoped3A = tpu.sem_alloc : memref<!tpu.dma_semaphore, #tpu.memory_space<semaphore_mem>>
      %dma_start3A = tpu.memref_slice %arg11[%mul3A_9] : memref<10240xf32, #tpu.memory_space<vmem_shared>> -> memref<640xf32, #tpu.memory_space<vmem_shared>>
      %dma_start3A_29 = tpu.memref_slice %arg11[%mul3A_9] : memref<10240xf32, #tpu.memory_space<vmem_shared>> -> memref<640xf32, #tpu.memory_space<vmem_shared>>
      tpu.enqueue_dma source(%arg7 : memref<640xf32, #tpu.memory_space<vmem>>) target(%dma_start3A_29 : memref<640xf32, #tpu.memory_space<vmem_shared>>) target_semaphore(%run_scoped3A : memref<!tpu.dma_semaphore, #tpu.memory_space<semaphore_mem>>)
      %dma_wait3A = tpu.memref_slice %arg11[%mul3A_9] : memref<10240xf32, #tpu.memory_space<vmem_shared>> -> memref<640xf32, #tpu.memory_space<vmem_shared>>
      %dma_wait3A_30 = tpu.memref_slice %arg11[%mul3A_9] : memref<10240xf32, #tpu.memory_space<vmem_shared>> -> memref<640xf32, #tpu.memory_space<vmem_shared>>
      tpu.wait_dma2 semaphore(%run_scoped3A : memref<!tpu.dma_semaphore, #tpu.memory_space<semaphore_mem>>) src(%arg7 : memref<640xf32, #tpu.memory_space<vmem>>) dst(%dma_wait3A_30 : memref<640xf32, #tpu.memory_space<vmem_shared>>)
      tpu.yield
    }) : () -> ()
    %barrier3A = arith.constant 0 : index
    tpu.barrier barrier_id(%barrier3A)
    %scan3A_10 = arith.constant 0 : i32
    %scan3A_11 = arith.constant 0 : i32
    %scan3A_12 = arith.constant 160 : i32
    %scan3A_13 = arith.addi %scan3A_11, %scan3A_12 : i32
    %scan3A_14 = arith.constant 1 : i32
    scf.for %scan3A_29 = %scan3A_11 to %scan3A_13 step %scan3A_14  : i32 {
      %mul3A_30 = arith.constant 128 : i32
      %mul3A_31 = arith.muli %scan3A_29, %mul3A_30 : i32
      "tpu.region"() ({
        %run_scoped3A = tpu.sem_alloc : memref<!tpu.dma_semaphore, #tpu.memory_space<semaphore_mem>>
        %dma_start3A = tpu.memref_slice %arg6[%mul3A_31] : memref<20480xf32, #tpu.memory_space<vmem>> -> memref<128xf32, #tpu.memory_space<vmem>>
        %dma_start3A_32 = arith.constant 0 : i32
        %dma_start3A_33 = tpu.memref_slice %arg5[%scan3A_29, %dma_start3A_32] : memref<160x128xi32, #tpu.memory_space<vmem>> -> memref<1x128xi32, #tpu.memory_space<vmem>>
        %dma_start3A_34 = tpu.memref_squeeze %dma_start3A_33 : memref<1x128xi32, #tpu.memory_space<vmem>> -> memref<128xi32, #tpu.memory_space<vmem>>
        %dma_start3A_35 = arith.constant 0 : i32
        %dma_start3A_36 = tpu.memref_slice %arg11[%dma_start3A_35] : memref<10240xf32, #tpu.memory_space<vmem_shared>> -> memref<10240xf32, #tpu.memory_space<vmem_shared>>
        tpu.enqueue_indirect_dma source(%dma_start3A : memref<128xf32, #tpu.memory_space<vmem>>) target(%dma_start3A_36 : memref<10240xf32, #tpu.memory_space<vmem_shared>>) offsets(%dma_start3A_34 : memref<128xi32, #tpu.memory_space<vmem>>) semaphore(%run_scoped3A : memref<!tpu.dma_semaphore, #tpu.memory_space<semaphore_mem>>) {add = true}
        %dma_wait3A = tpu.memref_slice %arg6[%mul3A_31] : memref<20480xf32, #tpu.memory_space<vmem>> -> memref<128xf32, #tpu.memory_space<vmem>>
        %dma_wait3A_37 = arith.constant 0 : i32
        %dma_wait3A_38 = tpu.memref_slice %arg5[%scan3A_29, %dma_wait3A_37] : memref<160x128xi32, #tpu.memory_space<vmem>> -> memref<1x128xi32, #tpu.memory_space<vmem>>
        %dma_wait3A_39 = tpu.memref_squeeze %dma_wait3A_38 : memref<1x128xi32, #tpu.memory_space<vmem>> -> memref<128xi32, #tpu.memory_space<vmem>>
        %dma_wait3A_40 = arith.constant 0 : i32
        %dma_wait3A_41 = tpu.memref_slice %arg11[%dma_wait3A_40] : memref<10240xf32, #tpu.memory_space<vmem_shared>> -> memref<10240xf32, #tpu.memory_space<vmem_shared>>
        tpu.wait_indirect_dma semaphore(%run_scoped3A : memref<!tpu.dma_semaphore, #tpu.memory_space<semaphore_mem>>) src(%dma_wait3A : memref<128xf32, #tpu.memory_space<vmem>>) dst(%dma_wait3A_41 : memref<10240xf32, #tpu.memory_space<vmem_shared>>)
        tpu.yield
      }) : () -> ()
    }
    %scan3A_15 = arith.constant 160 : i32
    %barrier3A_16 = arith.constant 0 : index
    tpu.barrier barrier_id(%barrier3A_16)
    %scan3A_17 = arith.constant 0 : i32
    %scan3A_18 = arith.constant 0 : i32
    %scan3A_19 = arith.constant 160 : i32
    %scan3A_20 = arith.addi %scan3A_18, %scan3A_19 : i32
    %scan3A_21 = arith.constant 1 : i32
    scf.for %scan3A_29 = %scan3A_18 to %scan3A_20 step %scan3A_21  : i32 {
      "tpu.region"() ({
        %run_scoped3A = tpu.sem_alloc : memref<!tpu.dma_semaphore, #tpu.memory_space<semaphore_mem>>
        %dma_start3A = arith.constant 0 : i32
        %dma_start3A_36 = tpu.memref_slice %arg5[%scan3A_29, %dma_start3A] : memref<160x128xi32, #tpu.memory_space<vmem>> -> memref<1x128xi32, #tpu.memory_space<vmem>>
        %dma_start3A_37 = tpu.memref_squeeze %dma_start3A_36 : memref<1x128xi32, #tpu.memory_space<vmem>> -> memref<128xi32, #tpu.memory_space<vmem>>
        %dma_start3A_38 = arith.constant 0 : i32
        %dma_start3A_39 = tpu.memref_slice %arg11[%dma_start3A_38] : memref<10240xf32, #tpu.memory_space<vmem_shared>> -> memref<10240xf32, #tpu.memory_space<vmem_shared>>
        tpu.enqueue_indirect_dma source(%dma_start3A_39 : memref<10240xf32, #tpu.memory_space<vmem_shared>>) target(%arg8 : memref<128xf32, #tpu.memory_space<vmem>>) offsets(%dma_start3A_37 : memref<128xi32, #tpu.memory_space<vmem>>) semaphore(%run_scoped3A : memref<!tpu.dma_semaphore, #tpu.memory_space<semaphore_mem>>)
        %dma_wait3A = arith.constant 0 : i32
        %dma_wait3A_40 = tpu.memref_slice %arg5[%scan3A_29, %dma_wait3A] : memref<160x128xi32, #tpu.memory_space<vmem>> -> memref<1x128xi32, #tpu.memory_space<vmem>>
        %dma_wait3A_41 = tpu.memref_squeeze %dma_wait3A_40 : memref<1x128xi32, #tpu.memory_space<vmem>> -> memref<128xi32, #tpu.memory_space<vmem>>
        %dma_wait3A_42 = arith.constant 0 : i32
        %dma_wait3A_43 = tpu.memref_slice %arg11[%dma_wait3A_42] : memref<10240xf32, #tpu.memory_space<vmem_shared>> -> memref<10240xf32, #tpu.memory_space<vmem_shared>>
        tpu.wait_indirect_dma semaphore(%run_scoped3A : memref<!tpu.dma_semaphore, #tpu.memory_space<semaphore_mem>>) src(%dma_wait3A_43 : memref<10240xf32, #tpu.memory_space<vmem_shared>>) dst(%arg8 : memref<128xf32, #tpu.memory_space<vmem>>)
        tpu.yield
      }) : () -> ()
      %scan3A_30 = arith.constant 0 : i32
      %scan3A_31 = arith.constant 0 : i32
      %scan3A_32 = arith.constant 8 : i32
      %scan3A_33 = arith.addi %scan3A_31, %scan3A_32 : i32
      %scan3A_34 = arith.constant 1 : i32
      scf.for %scan3A_36 = %scan3A_31 to %scan3A_33 step %scan3A_34  : i32 {
        %mul3A_37 = arith.constant 128 : i32
        %mul3A_38 = arith.muli %scan3A_29, %mul3A_37 : i32
        %mul3A_39 = arith.constant 16 : i32
        %mul3A_40 = arith.muli %scan3A_36, %mul3A_39 : i32
        %add3A_41 = arith.addi %mul3A_38, %mul3A_40 : i32
        %mul3A_42 = arith.constant 16 : i32
        %mul3A_43 = arith.muli %scan3A_36, %mul3A_42 : i32
        %get3A = arith.index_cast %mul3A_43 : i32 to index
        %get3A_44 = tpu.vector_load %arg8[%get3A] {strides = array<i32>} : memref<128xf32, #tpu.memory_space<vmem>>, vector<16xf32>,
        %get3A_45 = vector.shape_cast %get3A_44 : vector<16xf32> to vector<16xf32>
        %get3A_46 = arith.index_cast %add3A_41 : i32 to index
        %get3A_47 = tpu.vector_load %arg6[%get3A_46] {strides = array<i32>} : memref<20480xf32, #tpu.memory_space<vmem>>, vector<16xf32>,
        %get3A_48 = vector.shape_cast %get3A_47 : vector<16xf32> to vector<16xf32>
        %gt3A = arith.constant 0.000000e+00 : f32
        %gt3A_49 = vector.broadcast %gt3A : f32 to vector<16xf32>
        %gt3A_50 = arith.cmpf ogt, %get3A_45, %gt3A_49 : vector<16xf32>
        %jit3A = arith.constant 1.000000e+00 : f32
        %broadcast_in_dim3A = vector.broadcast %jit3A : f32 to vector<16xf32>
        %select_n3A = arith.select %gt3A_50, %get3A_45, %broadcast_in_dim3A : vector<16xi1>, vector<16xf32>
        %div3A = arith.divf %get3A_48, %select_n3A : vector<16xf32>
        %neg3A = arith.constant 0.000000e+00 : f32
        %neg3A_51 = vector.broadcast %neg3A : f32 to vector<16xf32>
        %neg3A_52 = arith.subf %neg3A_51, %div3A : vector<16xf32>
        %jit3A_53 = arith.constant 0.000000e+00 : f32
        %broadcast_in_dim3A_54 = vector.broadcast %jit3A_53 : f32 to vector<16xf32>
        %select_n3A_55 = arith.select %gt3A_50, %neg3A_52, %broadcast_in_dim3A_54 : vector<16xi1>, vector<16xf32>
        %swap3A = arith.index_cast %add3A_41 : i32 to index
        %swap3A_56 = tpu.vector_load %arg9[%swap3A] {strides = array<i32>} : memref<20480xf32, #tpu.memory_space<vmem>>, vector<16xf32>,
        %swap3A_57 = vector.shape_cast %swap3A_56 : vector<16xf32> to vector<16xf32>
        %swap3A_58 = vector.shape_cast %select_n3A_55 : vector<16xf32> to vector<16xf32>
        tpu.vector_store %arg9[%swap3A], %swap3A_58 {strides = array<i32>} : memref<20480xf32, #tpu.memory_space<vmem>>, vector<16xf32>,
      }
      %scan3A_35 = arith.constant 8 : i32
    }
    %scan3A_22 = arith.constant 160 : i32
    %mul3A_23 = arith.constant 10240 : i32
    %mul3A_24 = arith.muli %arg0, %mul3A_23 : i32
    %mul3A_25 = arith.constant 20480 : i32
    %mul3A_26 = arith.muli %arg1, %mul3A_25 : i32
    %mul3A_27 = arith.constant 10240 : i32
    %mul3A_28 = arith.muli %arg0, %mul3A_27 : i32
    %add3A = arith.addi %mul3A_26, %mul3A_28 : i32
    "tpu.region"() ({
      %run_scoped3A = tpu.sem_alloc : memref<!tpu.dma_semaphore, #tpu.memory_space<semaphore_mem>>
      %dma_start3A = tpu.memref_slice %arg9[%mul3A_24] : memref<20480xf32, #tpu.memory_space<vmem>> -> memref<10240xf32, #tpu.memory_space<vmem>>
      %dma_start3A_29 = tpu.memref_slice %arg4[%add3A] : memref<327680xf32, #tpu.memory_space<hbm>> -> memref<10240xf32, #tpu.memory_space<hbm>>
      %dma_start3A_30 = tpu.memref_slice %arg4[%add3A] : memref<327680xf32, #tpu.memory_space<hbm>> -> memref<10240xf32, #tpu.memory_space<hbm>>
      %dma_start3A_31 = tpu.memref_slice %arg9[%mul3A_24] : memref<20480xf32, #tpu.memory_space<vmem>> -> memref<10240xf32, #tpu.memory_space<vmem>>
      tpu.enqueue_dma source(%dma_start3A_31 : memref<10240xf32, #tpu.memory_space<vmem>>) target(%dma_start3A_30 : memref<10240xf32, #tpu.memory_space<hbm>>) target_semaphore(%run_scoped3A : memref<!tpu.dma_semaphore, #tpu.memory_space<semaphore_mem>>)
      %dma_wait3A = tpu.memref_slice %arg9[%mul3A_24] : memref<20480xf32, #tpu.memory_space<vmem>> -> memref<10240xf32, #tpu.memory_space<vmem>>
      %dma_wait3A_32 = tpu.memref_slice %arg4[%add3A] : memref<327680xf32, #tpu.memory_space<hbm>> -> memref<10240xf32, #tpu.memory_space<hbm>>
      %dma_wait3A_33 = tpu.memref_slice %arg4[%add3A] : memref<327680xf32, #tpu.memory_space<hbm>> -> memref<10240xf32, #tpu.memory_space<hbm>>
      %dma_wait3A_34 = tpu.memref_slice %arg9[%mul3A_24] : memref<20480xf32, #tpu.memory_space<vmem>> -> memref<10240xf32, #tpu.memory_space<vmem>>
      tpu.wait_dma2 semaphore(%run_scoped3A : memref<!tpu.dma_semaphore, #tpu.memory_space<semaphore_mem>>) src(%dma_wait3A_34 : memref<10240xf32, #tpu.memory_space<vmem>>) dst(%dma_wait3A_33 : memref<10240xf32, #tpu.memory_space<hbm>>)
      tpu.yield
    }) : () -> ()
    return
  }
}

</mosaic_0001>

<sc_bundles>
// kernel: _precompute_norm.3.cloned.1.call-start
scs
__scs_entry_jumppad:
0x0: {  	(pc) =	sbr.rel $0x88, $3  }
0x1: {  	(tag) =	ssettag $0x0;
	lr =	simm.s32 $0x1  }
0x2: {  	[smem:$0x3F9F] =	sst lr;
	_ =	strace $0xD0000000  }
0x3: {  	_ = 	snop  }
0x4: {  	_ = 	snop  }
0x5: {  	_ = 	snop  }
0x6: {  	_ = 	snop  }
0x7: {  	_ = 	snop  }
__scs_overlays_trampoline_lowered:
0x8: {  	[smem:$0x3FAE] =	sst s0  }
0x9: {  	[smem:$0x3FAF] =	sst s1  }
0xa: {  	[smem:$0x3FB0] =	sst s2  }
0xb: {  	[smem:$0x3FB1] =	sst s3  }
0xc: {  	[smem:$0x3FB2] =	sst s4  }
0xd: {  	[smem:$0x3FB3] =	sst s5  }
0xe: {  	[smem:$0x3FB4] =	sst s6  }
0xf: {  	[smem:$0x3FB5] =	sst s7  }
0x10: {  	[smem:$0x3FB6] =	sst s8  }
0x11: {  	[smem:$0x3FB7] =	sst s9;
	s0 =	simm.s32 @!p0 $0x0  }
0x12: {  	s1 =	sld [smem:$0x3F9D];
	s0 =	simm.s32 @p0 $0x1  }
0x13: {  	[smem:$0x3FB8] =	sst s0;
	s0 =	simm.s32 @!p1 $0x0  }
0x14: {  	s2 =	sld [smem:$0x3F9C];
	s0 =	simm.s32 @p1 $0x1  }
0x15: {  	[smem:$0x3FB9] =	sst s0;
	s0 =	simm.s32 @!p2 $0x0  }
0x16: {  	s3 =	sld [smem:$0x3FDB];
	s0 =	simm.s32 @p2 $0x1  }
0x17: {  	s4 =	simm.s32 $0x1BF5;
	[smem:$0x3FBB] =	sst s0  }
0x18: {  	s0 =	sld [smem:$0x3F9E];
	_ =	swait.ge [sflag:s4], $0x0  }
0x19: {  	s7 =	sld [smem:$0x3F9F]  }
0x1a: {  	s8 =	sadd.s32 $0xFFFFE003, lr  }
0x1b: {  	s9 =	sadd.s32 $0xFFFFFEF7, lr;
	s5 =	simm.s32 $0xFFFFFFFF;
	p2 =	slt.u32 s8, $0xFFFFF086  }
0x1c: {  	p1 =	slt.u32 s9, $0xF7A;
	s5 =	simm.s32 @!p2 $0x0  }
0x1d: {  	s5 =	simm.s32 @p1 $0x1;
	p0 =	seq.s32 s7, s2  }
0x1e: {  	s7 =	smul.u32 @!p0 $0xF7A, s2;
	p2 =	seq.s32 @!p0 s5, $0x0  }
0x1f: {  	s9 =	smul.u32 $0xF7A, s1;
	s8 =	simm.s32 @!p0 $0x1BF5;
	p2 =	por !p2, p0  }
0x20: {  	[sflag:s8] =	ssyncset.s32 @!p0 $0xFFFFF086;
	s6 =	sadd.s32 @!p0 s3, s7;
	s7 =	simm.s32 @!p0 $0x108  }
0x21: {  	s3 =	sadd.s32 s3, s9;
	s6 =	sadd.s32 @!p0 $0x88, s6;
	s7 =	simm.s32 @p2 $0x1082  }
0x22: {  	[simem:s7], [sflag:s8] =	dma.local @!p0 [hbm:s6], $0xF7A  }
0x23: {  	s9 =	sor.u32 $0xD0000000, s2;
	s6 =	simm.s32 $0x108;
	_ =	swait.ge @!p0 [sflag:s8], $0x0  }
0x24: {  	s3 =	sadd.s32 $0x88, s3;
	s6 =	simm.s32 @!p1 $0x1082;
	[sflag:s4] =	ssyncset.s32 $0xFFFFF086  }
0x25: {  	[simem:s6], [sflag:s4] =	dma.local [hbm:s3], $0xF7A  }
0x26: {  	[smem:$0x3F9F] =	sst s1;
	(tag) =	ssettag s2;
	_ =	strace s9  }
0x27: {  	s1 =	sld [smem:$0x3FAF]  }
0x28: {  	s2 =	sld [smem:$0x3FB0]  }
0x29: {  	s4 =	sld [smem:$0x3FB2]  }
0x2a: {  	p0 =	seq.s32 s5, $0x0;
	s5 =	sld [smem:$0x3FB3]  }
0x2b: {  	s6 =	sld [smem:$0x3FB4]  }
0x2c: {  	s7 =	sld [smem:$0x3FB5]  }
0x2d: {  	s3 =	simm.s32 $0x108;
	s8 =	sld [smem:$0x3FB6]  }
0x2e: {  	s3 =	simm.s32 @!p0 $0x1082;
	s9 =	sld [smem:$0x3FB7]  }
0x2f: {  	lr =	sadd.s32 s0, s3;
	s0 =	sld [smem:$0x3FAE]  }
0x30: {  	s3 =	sld [smem:$0x3FB1]  }
0x31: {  	[smem:$0x3FBA] =	sst s10  }
0x32: {  	s10 =	sld [smem:$0x3FB8];
	_ =	sdelay $0x3  }
0x33: {  	p0 =	seq.s32 s10, $0x1;
	s10 =	sld [smem:$0x3FBA];
	_ =	sdelay $0x3  }
0x34: {  	[smem:$0x3FBA] =	sst s10  }
0x35: {  	s10 =	sld [smem:$0x3FB9];
	_ =	sdelay $0x3  }
0x36: {  	p1 =	seq.s32 s10, $0x1;
	s10 =	sld [smem:$0x3FBA];
	_ =	sdelay $0x3  }
0x37: {  	[smem:$0x3FBA] =	sst s10  }
0x38: {  	s10 =	sld [smem:$0x3FBB]  }
0x39: {  	_ = 	snop;
	(pc) =	sbr.ind lr, $3  }
0x3a: {  	_ = 	snop  }
0x3b: {  	_ = 	snop  }
0x3c: {  	p2 =	seq.s32 s10, $0x1;
	s10 =	sld [smem:$0x3FBA]  }
0x3d: {  	_ =	shalt  }
0x3e: {  	_ =	shalt  }
0x3f: {  	_ =	shalt  }
0x40: {  	_ =	shalt  }
0x41: {  	_ =	shalt  }
0x42: {  	_ =	shalt  }
0x43: {  	_ =	shalt  }
0x44: {  	_ =	shalt  }
0x45: {  	_ =	shalt  }
0x46: {  	_ =	shalt  }
0x47: {  	_ =	shalt  }
0x48: {  	_ =	shalt  }
0x49: {  	_ =	shalt  }
0x4a: {  	_ =	shalt  }
0x4b: {  	_ =	shalt  }
0x4c: {  	_ =	shalt  }
0x4d: {  	_ =	shalt  }
0x4e: {  	_ =	shalt  }
0x4f: {  	_ =	shalt  }
0x50: {  	_ =	shalt  }
0x51: {  	_ =	shalt  }
0x52: {  	_ =	shalt  }
0x53: {  	_ =	shalt  }
0x54: {  	_ =	shalt  }
0x55: {  	_ =	shalt  }
0x56: {  	_ =	shalt  }
0x57: {  	_ =	shalt  }
0x58: {  	_ =	shalt  }
0x59: {  	_ =	shalt  }
0x5a: {  	_ =	shalt  }
0x5b: {  	_ =	shalt  }
0x5c: {  	_ =	shalt  }
0x5d: {  	_ =	shalt  }
0x5e: {  	_ =	shalt  }
0x5f: {  	_ =	shalt  }
0x60: {  	_ =	shalt  }
0x61: {  	_ =	shalt  }
0x62: {  	_ =	shalt  }
0x63: {  	_ =	shalt  }
0x64: {  	_ =	shalt  }
0x65: {  	_ =	shalt  }
0x66: {  	_ =	shalt  }
0x67: {  	_ =	shalt  }
0x68: {  	_ =	shalt  }
0x69: {  	_ =	shalt  }
0x6a: {  	_ =	shalt  }
0x6b: {  	_ =	shalt  }
0x6c: {  	_ =	shalt  }
0x6d: {  	_ =	shalt  }
0x6e: {  	_ =	shalt  }
0x6f: {  	_ =	shalt  }
0x70: {  	_ =	shalt  }
0x71: {  	_ =	shalt  }
0x72: {  	_ =	shalt  }
0x73: {  	_ =	shalt  }
0x74: {  	_ =	shalt  }
0x75: {  	_ =	shalt  }
0x76: {  	_ =	shalt  }
0x77: {  	_ =	shalt  }
0x78: {  	_ =	shalt  }
0x79: {  	_ =	shalt  }
0x7a: {  	_ =	shalt  }
0x7b: {  	_ =	shalt  }
0x7c: {  	_ =	shalt  }
0x7d: {  	_ =	shalt  }
0x7e: {  	_ =	shalt  }
0x7f: {  	_ =	shalt  }
0x80: {  	_ =	shalt  }
0x81: {  	_ =	shalt  }
0x82: {  	_ =	shalt  }
0x83: {  	_ =	shalt  }
0x84: {  	_ =	shalt  }
0x85: {  	_ =	shalt  }
0x86: {  	_ =	shalt  }
0x87: {  	_ =	shalt  }
.Lfunc_end0:
.L_simem_size_0:
called_computation_lowered:
.L_overlay_start_0:
0x88: {  	s2 =	sld [smem:$0x3FD9]  }
0x89: {  	s3 =	sld [smem:$0x3FFE];
	_ =	sdelay $0x1  }
0x8a: {  	s1 =	srdreg.scid  }
0x8b: {  	s0 =	sand.u32 $0x1, s1  }
0x8c: {  	s18 =	sshll.u32 s0, $0xA;
	s2 =	sadd.s32 s3, s2  }
0x8d: {  	s2 =	sadd.s32 s2, s18  }
0x8e: {  	[smem:$0x3FC6] =	sst s2  }
0x8f: {  	_ = 	snop  }
0x90: {  	s2 =	sld [smem:$0x3FC9]  }
0x91: {  	s19 =	sld [smem:$0x3FC8]  }
0x92: {  	s4 =	sld [smem:$0x3FD0];
	(tm) =	ssettm $0x1  }
0x93: {  	s5 =	sld [smem:$0x3FFB];
	_ =	sdelay $0x3  }
0x94: {  	_ =	strace s5  }
0x95: {  	s5 =	sld [smem:$0x3FFC];
	_ =	sdelay $0x3  }
0x96: {  	_ =	strace s5  }
0x97: {  	s5 =	sld [smem:$0x3FFD];
	_ =	sdelay $0x3  }
0x98: {  	_ =	strace s5  }
0x99: {  	_ =	strace $0x8FFFFFFF  }
0x9a: {  	s20 =	sld [smem:$0x3FDB];
	_ =	sdelay $0x1  }
0x9b: {  	s6 =	simm.s32 $_scs_section_size  }
0x9c: {  	s7 =	simm.s32 $_size__tile_overlayer_lowered;
	s8 =	simm.s32 $_tile_overlayer_lowered  }
0x9d: {  	s23 =	simm.s32 $0x1BFF;
	s22 =	sshll.u32 s8, $0x1;
	s5 =	sadd.s32 s6, s20  }
0x9e: {  	s9 =	simm.s32 $0x0;
	s21 =	sshll.u32 s7, $0x1;
	s7 =	sadd.s32 s22, s5  }
0x9f: {  	[timem:s9], [sflag:s23] =	dma.local [hbm:s7], s21  }
0xa0: {  	_ =	swait.ge [sflag:s23], s21  }
0xa1: {  	s6 =	ssub.s32 $0x0, s21;
	[sflag:s23] =	ssyncset.done $0x0  }
0xa2: {  	[sflag:s23] =	ssyncadd.s32 s6;
	_ =	sdelay $0x1  }
0xa3: {  	s24 =	simm.s32 $0x1B8B  }
0xa4: {  	_ =	swait.ge [sflag:s24], $0x1  }
0xa5: {  	[sflag:s24] =	ssyncset.done $0x0  }
0xa6: {  	s25 =	simm.s32 $0x1B8E;
	[sflag:s24] =	ssyncadd.s32 $0xFFFFFFFF  }
0xa7: {  	s26 =	simm.s32 $execute0_lowered;
	[smem:$0x3FD2] =	sst s25  }
0xa8: {  	s6 =	sshll.u32 s26, $0x1;
	_ =	strace $0x80000046;
	[dreg:$0x1] =	wrdreg $0xFFFFFFFF  }
0xa9: {  	s28 =	simm.s32 $_size_execute0_lowered;
	s5 =	sadd.s32 s5, s6;
	[dreg:$0x0] =	wrdreg $0x0  }
0xaa: {  	s6 =	sshll.u32 s28, $0x1;
	[dreg:$0x2] =	wrdreg s5  }
0xab: {  	[dreg:$0x3] =	wrdreg s6  }
0xac: {  	[dreg:$0x4] =	wrdreg $0xC0  }
0xad: {  	_ =	task [dreg:s9], $0x5FFFF  }
0xae: {  	[dreg:$0x1] =	wrdreg $0xFFFFFFFF  }
0xaf: {  	[dreg:$0x0] =	wrdreg $0x60  }
0xb0: {  	[dreg:$0x2] =	wrdreg s2  }
0xb1: {  	[dreg:$0x3] =	wrdreg s19  }
0xb2: {  	[dreg:$0x4] =	wrdreg s4  }
0xb3: {  	[dreg:$0x5] =	wrdreg $0xF3000  }
0xb4: {  	[dreg:$0x6] =	wrdreg $0x9  }
0xb5: {  	_ =	task.clear_ibuf [dreg:s9], $0x7FFFF;
	_ =	strace $0x90000046  }
0xb6: {  	s29 =	simm.s32 $0x9;
	_ =	strace $0x80000048  }
0xb7: {  	_ =	swait.ge [sflag:s29], $0x1  }
0xb8: {  	[sflag:s29] =	ssyncadd.s32 $0xFFFFFFFF  }
0xb9: {  	_ =	strace $0x90000048  }
0xba: {  	_ =	sfence  }
0xbb: {  	s30 =	sld [smem:$0x0];
	_ =	sdelay $0x2  }
0xbc: {  	s31 =	sshll.u32 s1, $0xD;
	s1 =	sshrl.u32 s1, $0x2  }
0xbd: {  	s3 =	sand.u32 $0x4000, s31;
	s1 =	sadd.s32 s1, s30  }
0xbe: {  	s0 =	sor.u32 s3, s0;
	s1 =	sshll.u32 s1, $0x11  }
0xbf: {  	s0 =	sor.u32 s1, s0  }
0xc0: {  	s0 =	sadd.s32 $0x8F2B, s0  }
0xc1: {  	[sflag:s0] =	ssyncadd.remote.s32 $0x1  }
0xc2: {  	_ =	sfence.sel $0xFFFF  }
0xc3: {  	[dreg:$0x0] =	wrdreg $0xFFFFFFFF;
	(pc) =	sbr.abs _section_cstart, $3  }
0xc4: {  	[dreg:$0x1] =	wrdreg $0xFFFFFFFF  }
0xc5: {  	_ =	task.clear_ibuf [dreg:s9], $0x2FFFF;
	_ =	strace $0x9FFFFFFF  }
0xc6: {  	(tm) =	ssettm $0x7FFFFFFF  }
0xc7: {  	_ =	shalt  }
tec
execute0_lowered:
.L_overlay_start_1:
0x0: {  	(tag) =	ssettag $0x1  }
0x1: {  	s4 =	rddreg [dreg:$0x0]  }
0x2: {  	s5 =	rddreg [dreg:$0x1]  }
0x3: {  	s7 =	rddreg [dreg:$0x2]  }
0x4: {  	s2 =	rddreg [dreg:$0x3]  }
0x5: {  	s3 =	srdreg.scid;
	s1 =	stileid.u32  }
0x6: {  	s0 =	rddreg [dreg:$0x4];
	s13 =	simm.s32 $0x80;
	s14 =	simm.s32 $0xA280  }
0x7: {  	s15 =	simm.s32 $0x0;
	s6 =	sand.u32 $0x1, s3;
	s8 =	smul.u32 $0xA00, s1  }
0x8: {  	s3 =	simm.s32 $0x0;
	s10 =	smul.u32 $0x5000, s1;
	s9 =	ssub.s32 $0x2, s6  }
0x9: {  	[smem:$0x7FF] =	sst s3;
	s12 =	smul.u32 $0x2800, s6;
	s11 =	sshrl.u32 s9, $0x1  }
0xa: {  	_ =	strace $0x80000047;
	s4 =	sadd.s32 s4, s8;
	s30 =	sshrl.u32 s10, $0x3  }
0xb: {  	s8 =	sshrl.u32 s8, $0x2;
	s9 =	ssub.s32 s9, s11;
	s10 =	sadd.s32 s12, s10  }
0xc: {  	s5 =	sadd.s32 s5, s30;
	s6 =	sadd.s32 s8, s2;
	s8 =	sadd.s32 $0xA300, s12  }
0xd: {  	s11 =	simm.s32 $0x5000;
	s12 =	simm.s32 $0xA000;
	s31 =	sshrl.u32 s10, $0x3  }
0xe: {  	v0 =	vimm.f32 $0.0e+00;
	s9 =	smax.u32 s9, $0x1;
	s10 =	simm.s32 $0x1;
	s7 =	sadd.s32 s7, s31  }
.LBB2_1:
0xf: {  	[tilespmem:s3], [sflag:$0x1] =	stream.linear.gather [hbm4b:s4+s3], $0x5000, $0x38;
	[tilespmem:$0xF580] =	vst v63  }
0x10: {  	_ =	swait.ge [sflag:s10], $0x5000  }
0x11: {  	[sflag:s10] =	ssyncset.done $0x0  }
0x12: {  	[sflag:s10] =	ssyncadd.s32 $0xFFFFB000  }
0x13: {  	[tilespmem:s11], [sflag:$0x1] =	stream.linear.gather [hbm4b:s5+s3], $0x5000, $0x38;
	[tilespmem:$0xF580] =	vst v63  }
0x14: {  	_ =	swait.ge [sflag:s10], $0x5000  }
0x15: {  	[sflag:s10] =	ssyncset.done $0x0  }
0x16: {  	[sflag:s10] =	ssyncadd.s32 $0xFFFFB000  }
0x17: {  	[tilespmem:$0xA000] =	vst v0  }
0x18: {  	[tilespmem:$0xA010] =	vst v0  }
0x19: {  	[tilespmem:$0xA020] =	vst v0  }
0x1a: {  	[tilespmem:$0xA030] =	vst v0  }
0x1b: {  	[tilespmem:$0xA040] =	vst v0  }
0x1c: {  	[tilespmem:$0xA050] =	vst v0  }
0x1d: {  	[tilespmem:$0xA060] =	vst v0  }
0x1e: {  	[tilespmem:$0xA070] =	vst v0  }
0x1f: {  	[tilespmem:$0xA080] =	vst v0  }
0x20: {  	[tilespmem:$0xA090] =	vst v0  }
0x21: {  	[tilespmem:$0xA0A0] =	vst v0  }
0x22: {  	[tilespmem:$0xA0B0] =	vst v0  }
0x23: {  	[tilespmem:$0xA0C0] =	vst v0  }
0x24: {  	[tilespmem:$0xA0D0] =	vst v0  }
0x25: {  	[tilespmem:$0xA0E0] =	vst v0  }
0x26: {  	[tilespmem:$0xA0F0] =	vst v0  }
0x27: {  	[tilespmem:$0xA100] =	vst v0  }
0x28: {  	[tilespmem:$0xA110] =	vst v0  }
0x29: {  	[tilespmem:$0xA120] =	vst v0  }
0x2a: {  	[tilespmem:$0xA130] =	vst v0  }
0x2b: {  	[tilespmem:$0xA140] =	vst v0  }
0x2c: {  	[tilespmem:$0xA150] =	vst v0  }
0x2d: {  	[tilespmem:$0xA160] =	vst v0  }
0x2e: {  	[tilespmem:$0xA170] =	vst v0  }
0x2f: {  	[tilespmem:$0xA180] =	vst v0  }
0x30: {  	[tilespmem:$0xA190] =	vst v0  }
0x31: {  	[tilespmem:$0xA1A0] =	vst v0  }
0x32: {  	[tilespmem:$0xA1B0] =	vst v0  }
0x33: {  	[tilespmem:$0xA1C0] =	vst v0  }
0x34: {  	[tilespmem:$0xA1D0] =	vst v0  }
0x35: {  	[tilespmem:$0xA1E0] =	vst v0  }
0x36: {  	[tilespmem:$0xA1F0] =	vst v0  }
0x37: {  	[tilespmem:$0xA200] =	vst v0  }
0x38: {  	[tilespmem:$0xA210] =	vst v0  }
0x39: {  	[tilespmem:$0xA220] =	vst v0  }
0x3a: {  	[tilespmem:$0xA230] =	vst v0  }
0x3b: {  	[tilespmem:$0xA240] =	vst v0  }
0x3c: {  	[tilespmem:$0xA250] =	vst v0  }
0x3d: {  	[tilespmem:$0xA260] =	vst v0  }
0x3e: {  	[tilespmem:$0xA270] =	vst v0  }
0x3f: {  	[spmem:s6] =	stream.linear.scatter [tilespmem:s12], [sflag:$0x1], $0x280, $0x38;
	[tilespmem:$0xF580] =	vst v63  }
0x40: {  	_ =	swait.ge [sflag:s10], $0x280  }
0x41: {  	[sflag:s10] =	ssyncset.done $0x0  }
0x42: {  	[sflag:s10] =	ssyncadd.s32 $0xFFFFFD80  }
0x43: {  	s16 =	simm.s32 $0x0;
	s17 =	simm.s32 $0x5000;
	[bflag:$0x0] =	sbarrier.arrive $0xFFFF  }
0x44: {  	[spmem:s2] =	stream.indirect.scatter.add.f32 [tilespmem:s17], [sflag:$0x1], $0x1, s16, s13, $0xb8;
	[tilespmem:$0xF580] =	vst v63  }
0x45: {  	s16 =	simm.s32 $0x200;
	_ =	swait.ge [sflag:s10], $0x80  }
.LBB2_2:
0x46: {  	s17 =	sshra.s32 s16, $0x2;
	[sflag:s10] =	ssyncset.done $0x0;
	p0 =	sne.s32 s16, $0x13E00  }
.Ltmp0:
0x47: {  	s18 =	sadd.s32 $0x5000, s17;
	[sflag:s10] =	ssyncadd.s32 $0xFFFFFF80;
	(pc) =	sbr.rel @p0 .LBB2_2-.Ltmp0, $3  }
0x48: {  	[spmem:s2] =	stream.indirect.scatter.add.f32 [tilespmem:s18], [sflag:$0x1], $0x1, s17, s13, $0xb8;
	[tilespmem:$0xF580] =	vst v63  }
0x49: {  	s16 =	sadd.s32 $0x200, s16;
	_ =	sdelay $0x1  }
0x4a: {  	_ =	swait.ge [sflag:s10], $0x80  }
0x4b: {  	[sflag:s10] =	ssyncset.done $0x0  }
0x4c: {  	[sflag:s10] =	ssyncadd.s32 $0xFFFFFF80  }
0x4d: {  	s16 =	simm.s32 $0x0;
	[bflag:$0x0] =	sbarrier.arrive $0xFFFF  }
0x4e: {  	[tilespmem:s14], [sflag:$0x1] =	stream.indirect.gather [spmem:s2], $0x1, s16, s13, $0xb8;
	[tilespmem:$0xF580] =	vst v63  }
0x4f: {  	_ =	swait.ge [sflag:s10], $0x80  }
0x50: {  	[sflag:s10] =	ssyncset.done $0x0  }
0x51: {  	[sflag:s10] =	ssyncadd.s32 $0xFFFFFF80  }
0x52: {  	v1 =	vld [tilespmem:$0xA280];
	_ =	sdelay $0x4  }
0x53: {  	vm0 =	vgt.f32 v1, $0.0e+00  }
0x54: {  	v1 =	vnsel vm0, $0x3F800000, v1  }
0x55: {  	(erf) = vrcp.f32 v1;
	_ =	sdelay $0x4  }
0x56: {  	v1 =	vld [tilespmem:s16+$0x5000];
	_ =	sdelay $0x3  }
0x57: {  	v4 =	vpop (erf)  }
0x58: {  	v1 =	vmul.f32 v4, v1;
	_ =	sdelay $0x1  }
0x59: {  	v1 =	vsub.f32 $0.0e+00, v1;
	_ =	sdelay $0x1  }
0x5a: {  	v1 =	vnsel vm0, $0x0, v1  }
0x5b: {  	[tilespmem:s16+$0xA300] =	vst v1  }
0x5c: {  	v1 =	vld [tilespmem:$0xA290];
	_ =	sdelay $0x4  }
0x5d: {  	vm9 =	vgt.f32 v1, $0.0e+00  }
0x5e: {  	v1 =	vnsel vm9, $0x3F800000, v1  }
0x5f: {  	(erf) = vrcp.f32 v1;
	_ =	sdelay $0x4  }
0x60: {  	v2 =	vld [tilespmem:s16+$0x5010];
	_ =	sdelay $0x3  }
0x61: {  	v1 =	vpop (erf)  }
0x62: {  	v1 =	vmul.f32 v1, v2;
	_ =	sdelay $0x1  }
0x63: {  	v1 =	vsub.f32 $0.0e+00, v1;
	_ =	sdelay $0x1  }
0x64: {  	v1 =	vnsel vm9, $0x0, v1  }
0x65: {  	[tilespmem:s16+$0xA310] =	vst v1  }
0x66: {  	v1 =	vld [tilespmem:$0xA2A0];
	_ =	sdelay $0x4  }
0x67: {  	vm10 =	vgt.f32 v1, $0.0e+00  }
0x68: {  	v1 =	vnsel vm10, $0x3F800000, v1  }
0x69: {  	(erf) = vrcp.f32 v1;
	_ =	sdelay $0x4  }
0x6a: {  	v3 =	vld [tilespmem:s16+$0x5020];
	_ =	sdelay $0x3  }
0x6b: {  	v1 =	vpop (erf)  }
0x6c: {  	v1 =	vmul.f32 v1, v3;
	_ =	sdelay $0x1  }
0x6d: {  	v1 =	vsub.f32 $0.0e+00, v1;
	_ =	sdelay $0x1  }
0x6e: {  	v1 =	vnsel vm10, $0x0, v1  }
0x6f: {  	[tilespmem:s16+$0xA320] =	vst v1  }
0x70: {  	v1 =	vld [tilespmem:$0xA2B0];
	_ =	sdelay $0x4  }
0x71: {  	vm11 =	vgt.f32 v1, $0.0e+00  }
0x72: {  	v1 =	vnsel vm11, $0x3F800000, v1  }
0x73: {  	(erf) = vrcp.f32 v1;
	_ =	sdelay $0x4  }
0x74: {  	v5 =	vld [tilespmem:s16+$0x5030];
	_ =	sdelay $0x3  }
0x75: {  	v1 =	vpop (erf)  }
0x76: {  	v1 =	vmul.f32 v1, v5;
	_ =	sdelay $0x1  }
0x77: {  	v1 =	vsub.f32 $0.0e+00, v1;
	_ =	sdelay $0x1  }
0x78: {  	v1 =	vnsel vm11, $0x0, v1  }
0x79: {  	[tilespmem:s16+$0xA330] =	vst v1  }
0x7a: {  	v1 =	vld [tilespmem:$0xA2C0];
	_ =	sdelay $0x4  }
0x7b: {  	vm12 =	vgt.f32 v1, $0.0e+00  }
0x7c: {  	v1 =	vnsel vm12, $0x3F800000, v1  }
0x7d: {  	(erf) = vrcp.f32 v1;
	_ =	sdelay $0x4  }
0x7e: {  	v63 =	vld [tilespmem:s16+$0x5040];
	_ =	sdelay $0x3  }
0x7f: {  	v1 =	vpop (erf)  }
0x80: {  	v1 =	vmul.f32 v1, v63;
	_ =	sdelay $0x1  }
0x81: {  	v1 =	vsub.f32 $0.0e+00, v1;
	_ =	sdelay $0x1  }
0x82: {  	v1 =	vnsel vm12, $0x0, v1  }
0x83: {  	[tilespmem:s16+$0xA340] =	vst v1  }
0x84: {  	v1 =	vld [tilespmem:$0xA2D0];
	_ =	sdelay $0x4  }
0x85: {  	vm13 =	vgt.f32 v1, $0.0e+00  }
0x86: {  	v1 =	vnsel vm13, $0x3F800000, v1  }
0x87: {  	(erf) = vrcp.f32 v1;
	_ =	sdelay $0x4  }
0x88: {  	v6 =	vld [tilespmem:s16+$0x5050];
	_ =	sdelay $0x3  }
0x89: {  	v1 =	vpop (erf)  }
0x8a: {  	v1 =	vmul.f32 v1, v6;
	_ =	sdelay $0x1  }
0x8b: {  	v1 =	vsub.f32 $0.0e+00, v1;
	_ =	sdelay $0x1  }
0x8c: {  	v1 =	vnsel vm13, $0x0, v1  }
0x8d: {  	[tilespmem:s16+$0xA350] =	vst v1  }
0x8e: {  	v1 =	vld [tilespmem:$0xA2E0];
	_ =	sdelay $0x4  }
0x8f: {  	vm14 =	vgt.f32 v1, $0.0e+00  }
0x90: {  	v1 =	vnsel vm14, $0x3F800000, v1  }
0x91: {  	(erf) = vrcp.f32 v1;
	_ =	sdelay $0x4  }
0x92: {  	v7 =	vld [tilespmem:s16+$0x5060];
	_ =	sdelay $0x3  }
0x93: {  	v1 =	vpop (erf)  }
0x94: {  	v1 =	vmul.f32 v1, v7;
	_ =	sdelay $0x1  }
0x95: {  	v1 =	vsub.f32 $0.0e+00, v1;
	_ =	sdelay $0x1  }
0x96: {  	v1 =	vnsel vm14, $0x0, v1  }
0x97: {  	[tilespmem:s16+$0xA360] =	vst v1  }
0x98: {  	v1 =	vld [tilespmem:$0xA2F0];
	_ =	sdelay $0x4  }
0x99: {  	vm15 =	vgt.f32 v1, $0.0e+00  }
0x9a: {  	v1 =	vnsel vm15, $0x3F800000, v1  }
0x9b: {  	(erf) = vrcp.f32 v1;
	_ =	sdelay $0x4  }
0x9c: {  	v8 =	vld [tilespmem:s16+$0x5070];
	_ =	sdelay $0x3  }
0x9d: {  	v1 =	vpop (erf)  }
0x9e: {  	v1 =	vmul.f32 v1, v8;
	_ =	sdelay $0x1  }
0x9f: {  	v1 =	vsub.f32 $0.0e+00, v1;
	_ =	sdelay $0x1  }
0xa0: {  	s17 =	simm.s32 $0x200;
	s18 =	simm.s32 $0x400;
	v1 =	vnsel vm15, $0x0, v1  }
.LBB2_4:
0xa1: {  	p0 =	sne.s32 s18, $0x13E00  }
0xa2: {  	[tilespmem:s16+$0xA370] =	vst v1;
	s16 =	sshra.s32 s17, $0x2;
	s17 =	smov.u32 s18;
	s18 =	sadd.s32 $0x200, s18  }
0xa3: {  	[tilespmem:s14], [sflag:$0x1] =	stream.indirect.gather [spmem:s2], $0x1, s16, s13, $0xb8;
	[tilespmem:$0xF580] =	vst v63  }
0xa4: {  	_ =	swait.ge [sflag:s10], $0x80  }
0xa5: {  	[sflag:s10] =	ssyncset.done $0x0  }
0xa6: {  	[sflag:s10] =	ssyncadd.s32 $0xFFFFFF80  }
0xa7: {  	v1 =	vld [tilespmem:$0xA280]  }
0xa8: {  	v5 =	vld [tilespmem:s16+$0x5000]  }
0xa9: {  	v6 =	vld [tilespmem:s16+$0x5010]  }
0xaa: {  	v7 =	vld [tilespmem:s16+$0x5020]  }
0xab: {  	v8 =	vld [tilespmem:s16+$0x5030]  }
0xac: {  	vm0 =	vgt.f32 v1, $0.0e+00;
	v4 =	vld [tilespmem:s16+$0x5040]  }
0xad: {  	v1 =	vnsel vm0, $0x3F800000, v1;
	v3 =	vld [tilespmem:s16+$0x5050]  }
0xae: {  	v2 =	vld [tilespmem:s16+$0x5060];
	(erf) = vrcp.f32 v1  }
0xaf: {  	v1 =	vld [tilespmem:s16+$0x5070];
	_ =	sdelay $0x7  }
0xb0: {  	v9 =	vpop (erf)  }
0xb1: {  	v5 =	vmul.f32 v9, v5;
	_ =	sdelay $0x1  }
0xb2: {  	v5 =	vsub.f32 $0.0e+00, v5;
	_ =	sdelay $0x1  }
0xb3: {  	v5 =	vnsel vm0, $0x0, v5  }
0xb4: {  	[tilespmem:s16+$0xA300] =	vst v5  }
0xb5: {  	v5 =	vld [tilespmem:$0xA290];
	_ =	sdelay $0x4  }
0xb6: {  	vm0 =	vgt.f32 v5, $0.0e+00  }
0xb7: {  	v5 =	vnsel vm0, $0x3F800000, v5  }
0xb8: {  	(erf) = vrcp.f32 v5;
	_ =	sdelay $0x8  }
0xb9: {  	v5 =	vpop (erf)  }
0xba: {  	v5 =	vmul.f32 v5, v6;
	_ =	sdelay $0x1  }
0xbb: {  	v5 =	vsub.f32 $0.0e+00, v5;
	_ =	sdelay $0x1  }
0xbc: {  	v5 =	vnsel vm0, $0x0, v5  }
0xbd: {  	[tilespmem:s16+$0xA310] =	vst v5  }
0xbe: {  	v5 =	vld [tilespmem:$0xA2A0];
	_ =	sdelay $0x4  }
0xbf: {  	vm0 =	vgt.f32 v5, $0.0e+00  }
0xc0: {  	v5 =	vnsel vm0, $0x3F800000, v5  }
0xc1: {  	(erf) = vrcp.f32 v5;
	_ =	sdelay $0x8  }
0xc2: {  	v5 =	vpop (erf)  }
0xc3: {  	v5 =	vmul.f32 v5, v7;
	_ =	sdelay $0x1  }
0xc4: {  	v5 =	vsub.f32 $0.0e+00, v5;
	_ =	sdelay $0x1  }
0xc5: {  	v5 =	vnsel vm0, $0x0, v5  }
0xc6: {  	[tilespmem:s16+$0xA320] =	vst v5  }
0xc7: {  	v5 =	vld [tilespmem:$0xA2B0];
	_ =	sdelay $0x4  }
0xc8: {  	vm0 =	vgt.f32 v5, $0.0e+00  }
0xc9: {  	v5 =	vnsel vm0, $0x3F800000, v5  }
0xca: {  	(erf) = vrcp.f32 v5;
	_ =	sdelay $0x8  }
0xcb: {  	v5 =	vpop (erf)  }
0xcc: {  	v5 =	vmul.f32 v5, v8;
	_ =	sdelay $0x1  }
0xcd: {  	v5 =	vsub.f32 $0.0e+00, v5;
	_ =	sdelay $0x1  }
0xce: {  	v5 =	vnsel vm0, $0x0, v5  }
0xcf: {  	[tilespmem:s16+$0xA330] =	vst v5  }
0xd0: {  	v5 =	vld [tilespmem:$0xA2C0];
	_ =	sdelay $0x4  }
0xd1: {  	vm0 =	vgt.f32 v5, $0.0e+00  }
0xd2: {  	v5 =	vnsel vm0, $0x3F800000, v5  }
0xd3: {  	(erf) = vrcp.f32 v5;
	_ =	sdelay $0x8  }
0xd4: {  	v5 =	vpop (erf)  }
0xd5: {  	v4 =	vmul.f32 v5, v4;
	_ =	sdelay $0x1  }
0xd6: {  	v4 =	vsub.f32 $0.0e+00, v4;
	_ =	sdelay $0x1  }
0xd7: {  	v4 =	vnsel vm0, $0x0, v4  }
0xd8: {  	[tilespmem:s16+$0xA340] =	vst v4  }
0xd9: {  	v4 =	vld [tilespmem:$0xA2D0];
	_ =	sdelay $0x4  }
0xda: {  	vm0 =	vgt.f32 v4, $0.0e+00  }
0xdb: {  	v4 =	vnsel vm0, $0x3F800000, v4  }
0xdc: {  	(erf) = vrcp.f32 v4;
	_ =	sdelay $0x8  }
0xdd: {  	v4 =	vpop (erf)  }
0xde: {  	v3 =	vmul.f32 v4, v3;
	_ =	sdelay $0x1  }
0xdf: {  	v3 =	vsub.f32 $0.0e+00, v3;
	_ =	sdelay $0x1  }
0xe0: {  	v3 =	vnsel vm0, $0x0, v3  }
0xe1: {  	[tilespmem:s16+$0xA350] =	vst v3  }
0xe2: {  	v3 =	vld [tilespmem:$0xA2E0];
	_ =	sdelay $0x4  }
0xe3: {  	vm0 =	vgt.f32 v3, $0.0e+00  }
0xe4: {  	v3 =	vnsel vm0, $0x3F800000, v3  }
0xe5: {  	(erf) = vrcp.f32 v3;
	_ =	sdelay $0x8  }
0xe6: {  	v3 =	vpop (erf)  }
0xe7: {  	v2 =	vmul.f32 v3, v2;
	_ =	sdelay $0x1  }
0xe8: {  	v2 =	vsub.f32 $0.0e+00, v2;
	_ =	sdelay $0x1  }
0xe9: {  	v2 =	vnsel vm0, $0x0, v2  }
0xea: {  	[tilespmem:s16+$0xA360] =	vst v2  }
0xeb: {  	v2 =	vld [tilespmem:$0xA2F0];
	_ =	sdelay $0x4  }
0xec: {  	vm0 =	vgt.f32 v2, $0.0e+00  }
0xed: {  	v2 =	vnsel vm0, $0x3F800000, v2  }
0xee: {  	(erf) = vrcp.f32 v2;
	_ =	sdelay $0x8  }
0xef: {  	v2 =	vpop (erf)  }
.Ltmp1:
0xf0: {  	v1 =	vmul.f32 v2, v1;
	(pc) =	sbr.rel @p0 .LBB2_4-.Ltmp1, $3  }
0xf1: {  	_ = 	snop  }
0xf2: {  	v1 =	vsub.f32 $0.0e+00, v1;
	_ =	sdelay $0x1  }
0xf3: {  	v1 =	vnsel vm0, $0x0, v1  }
0xf4: {  	s17 =	sshra.s32 s17, $0x2;
	[tilespmem:s16+$0xA370] =	vst v1  }
0xf5: {  	[tilespmem:s14], [sflag:$0x1] =	stream.indirect.gather [spmem:s2], $0x1, s17, s13, $0xb8;
	[tilespmem:$0xF580] =	vst v63  }
0xf6: {  	_ =	swait.ge [sflag:s10], $0x80  }
0xf7: {  	[sflag:s10] =	ssyncset.done $0x0  }
0xf8: {  	[sflag:s10] =	ssyncadd.s32 $0xFFFFFF80  }
0xf9: {  	v1 =	vld [tilespmem:$0xA280];
	_ =	sdelay $0x4  }
0xfa: {  	vm0 =	vgt.f32 v1, $0.0e+00  }
0xfb: {  	v1 =	vnsel vm0, $0x3F800000, v1  }
0xfc: {  	(erf) = vrcp.f32 v1;
	_ =	sdelay $0x4  }
0xfd: {  	v1 =	vld [tilespmem:s17+$0x5000];
	_ =	sdelay $0x3  }
0xfe: {  	v2 =	vpop (erf)  }
0xff: {  	v1 =	vmul.f32 v2, v1;
	_ =	sdelay $0x1  }
0x100: {  	v1 =	vsub.f32 $0.0e+00, v1;
	_ =	sdelay $0x1  }
0x101: {  	v1 =	vnsel vm0, $0x0, v1  }
0x102: {  	[tilespmem:s17+$0xA300] =	vst v1  }
0x103: {  	v1 =	vld [tilespmem:$0xA290];
	_ =	sdelay $0x4  }
0x104: {  	vm9 =	vgt.f32 v1, $0.0e+00  }
0x105: {  	v1 =	vnsel vm9, $0x3F800000, v1  }
0x106: {  	(erf) = vrcp.f32 v1;
	_ =	sdelay $0x4  }
0x107: {  	v1 =	vld [tilespmem:s17+$0x5010];
	_ =	sdelay $0x3  }
0x108: {  	v2 =	vpop (erf)  }
0x109: {  	v1 =	vmul.f32 v2, v1;
	_ =	sdelay $0x1  }
0x10a: {  	v1 =	vsub.f32 $0.0e+00, v1;
	_ =	sdelay $0x1  }
0x10b: {  	v1 =	vnsel vm9, $0x0, v1  }
0x10c: {  	[tilespmem:s17+$0xA310] =	vst v1  }
0x10d: {  	v1 =	vld [tilespmem:$0xA2A0];
	_ =	sdelay $0x4  }
0x10e: {  	vm10 =	vgt.f32 v1, $0.0e+00  }
0x10f: {  	v1 =	vnsel vm10, $0x3F800000, v1  }
0x110: {  	(erf) = vrcp.f32 v1;
	_ =	sdelay $0x4  }
0x111: {  	v1 =	vld [tilespmem:s17+$0x5020];
	_ =	sdelay $0x3  }
0x112: {  	v2 =	vpop (erf)  }
0x113: {  	v1 =	vmul.f32 v2, v1;
	_ =	sdelay $0x1  }
0x114: {  	v1 =	vsub.f32 $0.0e+00, v1;
	_ =	sdelay $0x1  }
0x115: {  	v1 =	vnsel vm10, $0x0, v1  }
0x116: {  	[tilespmem:s17+$0xA320] =	vst v1  }
0x117: {  	v1 =	vld [tilespmem:$0xA2B0];
	_ =	sdelay $0x4  }
0x118: {  	vm11 =	vgt.f32 v1, $0.0e+00  }
0x119: {  	v1 =	vnsel vm11, $0x3F800000, v1  }
0x11a: {  	(erf) = vrcp.f32 v1;
	_ =	sdelay $0x4  }
0x11b: {  	v1 =	vld [tilespmem:s17+$0x5030];
	_ =	sdelay $0x3  }
0x11c: {  	v2 =	vpop (erf)  }
0x11d: {  	v1 =	vmul.f32 v2, v1;
	_ =	sdelay $0x1  }
0x11e: {  	v1 =	vsub.f32 $0.0e+00, v1;
	_ =	sdelay $0x1  }
0x11f: {  	v1 =	vnsel vm11, $0x0, v1  }
0x120: {  	[tilespmem:s17+$0xA330] =	vst v1  }
0x121: {  	v1 =	vld [tilespmem:$0xA2C0];
	_ =	sdelay $0x4  }
0x122: {  	vm12 =	vgt.f32 v1, $0.0e+00  }
0x123: {  	v1 =	vnsel vm12, $0x3F800000, v1  }
0x124: {  	(erf) = vrcp.f32 v1;
	_ =	sdelay $0x4  }
0x125: {  	v1 =	vld [tilespmem:s17+$0x5040];
	_ =	sdelay $0x3  }
0x126: {  	v2 =	vpop (erf)  }
0x127: {  	v1 =	vmul.f32 v2, v1;
	_ =	sdelay $0x1  }
0x128: {  	v1 =	vsub.f32 $0.0e+00, v1;
	_ =	sdelay $0x1  }
0x129: {  	v1 =	vnsel vm12, $0x0, v1  }
0x12a: {  	[tilespmem:s17+$0xA340] =	vst v1  }
0x12b: {  	v1 =	vld [tilespmem:$0xA2D0];
	_ =	sdelay $0x4  }
0x12c: {  	vm13 =	vgt.f32 v1, $0.0e+00  }
0x12d: {  	v1 =	vnsel vm13, $0x3F800000, v1  }
0x12e: {  	(erf) = vrcp.f32 v1;
	_ =	sdelay $0x4  }
0x12f: {  	v1 =	vld [tilespmem:s17+$0x5050];
	_ =	sdelay $0x3  }
0x130: {  	v2 =	vpop (erf)  }
0x131: {  	v1 =	vmul.f32 v2, v1;
	_ =	sdelay $0x1  }
0x132: {  	v1 =	vsub.f32 $0.0e+00, v1;
	_ =	sdelay $0x1  }
0x133: {  	v1 =	vnsel vm13, $0x0, v1  }
0x134: {  	[tilespmem:s17+$0xA350] =	vst v1  }
0x135: {  	v1 =	vld [tilespmem:$0xA2E0];
	_ =	sdelay $0x4  }
0x136: {  	vm14 =	vgt.f32 v1, $0.0e+00  }
0x137: {  	v1 =	vnsel vm14, $0x3F800000, v1  }
0x138: {  	(erf) = vrcp.f32 v1;
	_ =	sdelay $0x4  }
0x139: {  	v1 =	vld [tilespmem:s17+$0x5060];
	_ =	sdelay $0x3  }
0x13a: {  	v2 =	vpop (erf)  }
0x13b: {  	v1 =	vmul.f32 v2, v1;
	_ =	sdelay $0x1  }
0x13c: {  	v1 =	vsub.f32 $0.0e+00, v1;
	_ =	sdelay $0x1  }
0x13d: {  	v1 =	vnsel vm14, $0x0, v1  }
0x13e: {  	[tilespmem:s17+$0xA360] =	vst v1  }
0x13f: {  	v1 =	vld [tilespmem:$0xA2F0];
	_ =	sdelay $0x4  }
0x140: {  	vm15 =	vgt.f32 v1, $0.0e+00  }
0x141: {  	v1 =	vnsel vm15, $0x3F800000, v1  }
0x142: {  	(erf) = vrcp.f32 v1;
	_ =	sdelay $0x4  }
0x143: {  	v1 =	vld [tilespmem:s17+$0x5070];
	_ =	sdelay $0x3  }
0x144: {  	v2 =	vpop (erf)  }
0x145: {  	v1 =	vmul.f32 v2, v1;
	_ =	sdelay $0x1  }
0x146: {  	v1 =	vsub.f32 $0.0e+00, v1  }
0x147: {  	s15 =	sadd.s32 $0x1, s15  }
0x148: {  	p0 =	sne.s32 s15, s9;
	v1 =	vnsel vm15, $0x0, v1  }
.Ltmp2:
0x149: {  	[tilespmem:s17+$0xA370] =	vst v1;
	(pc) =	sbr.rel @p0 .LBB2_1-.Ltmp2, $4  }
0x14a: {  	[hbm4b:s7+s3] =	stream.linear.scatter [tilespmem:s8], [sflag:$0x1], $0x2800, $0x38;
	[tilespmem:$0xF580] =	vst v63  }
0x14b: {  	_ =	swait.ge [sflag:s10], $0x2800  }
0x14c: {  	[sflag:s10] =	ssyncset.done $0x0  }
0x14d: {  	[sflag:s10] =	ssyncadd.s32 $0xFFFFD800  }
0x14e: {  	_ =	sfence.sel $0x180000  }
0x14f: {  	[bflag:$0x0] =	sbarrier.arrive $0xFFFF  }
0x150: {  	p0 =	sne.s32 s1, $0x0;
	_ =	strace $0x90000047  }
0x151: {  	s0 =	sadd.s32 @!p0 $0x100000, s0;
	[bflag:$0x2] =	sbarrier.arrive $0xFFFF  }
0x152: {  	[sflag:s0] =	ssyncadd.tile.s32 @!p0 $0x1;
	_ =	shalt  }
.Lfunc_end2:
_tile_overlayer_lowered:
.L_overlay_start_2:
0x153: {  	(tag) =	ssettag $0x2  }
0x154: {  	s0 =	rddreg [dreg:$0x0];
	s2 =	stileid.u32  }
0x155: {  	s1 =	rddreg [dreg:$0x1];
	p0 =	sne.s32 s2, $0x0  }
0x156: {  	s3 =	rddreg [dreg:$0x2];
	[bflag:$0x3] =	sbarrier.arrive $0xFFFF;
	s2 =	simm.s32 @!p0 $0x1C01  }
0x157: {  	[timem:s3], [sflag:s2] =	dma.local @!p0 [hbm:s0], s1  }
0x158: {  	s0 =	simm.s32 @!p0 $0x1  }
0x159: {  	_ =	swait.ge @!p0 [sflag:s0], s1  }
0x15a: {  	s1 =	ssub.s32 @!p0 $0x0, s1;
	[sflag:s0] =	ssyncset.done @!p0 $0x0  }
0x15b: {  	[sflag:s0] =	ssyncadd.s32 @!p0 s1  }
0x15c: {  	[bflag:$0x3] =	sbarrier.arrive $0xFFFF  }
0x15d: {  	_ =	shalt  }

</sc_bundles>
